<compile_context>
chip_gen: v7x
topology: tpu7x:2x2x1
jax: 0.10.2.dev20260603
libtpu: 0.0.44.dev20260713+nightly
codegen_flags: <defaults>
</compile_context>

<pallas_src>
import functools

import jax
import jax.numpy as jnp
from jax import lax
from jax.experimental import pallas as pl
from jax.experimental.pallas import tpu as pltpu
from jax.experimental.pallas import tpu_sc as plsc

_LANES = 16
_NUM_WORKERS = 32


def _sc_hash_gather(gold_flat, emb_flat, scale_vec, nbins_vec):
    n = gold_flat.shape[0]
    v4 = emb_flat.shape[0]
    v = v4 // 4
    per_w = n // _NUM_WORKERS
    mesh = plsc.VectorSubcoreMesh(core_axis_name="c", subcore_axis_name="s")

    @functools.partial(
        pl.kernel,
        mesh=mesh,
        compiler_params=pltpu.CompilerParams(needs_layout_passes=False),
        out_type=jax.ShapeDtypeStruct((n,), jnp.int32),
        scratch_types=[
            pltpu.VMEM((v4,), jnp.float32),
            pltpu.VMEM((v,), jnp.int32),
            pltpu.VMEM((per_w,), jnp.int32),
            pltpu.VMEM((per_w,), jnp.int32),
            pltpu.VMEM((_LANES,), jnp.float32),
            pltpu.VMEM((_LANES,), jnp.int32),
            pltpu.SemaphoreType.DMA,
        ],
    )
    def sc_kernel(gold_hbm, emb_hbm, scale_hbm, nb_hbm, h_hbm,
                  emb_v, tbl_v, gold_v, h_v, scale_v, nb_v, sem):
        wid = lax.axis_index("s") * 2 + lax.axis_index("c")
        base = wid * per_w
        gold_dma = pltpu.async_copy(gold_hbm.at[pl.ds(base, per_w)], gold_v, sem)
        pltpu.sync_copy(emb_hbm, emb_v)
        pltpu.sync_copy(scale_hbm, scale_v)
        pltpu.sync_copy(nb_hbm, nb_v)
        scale = scale_v[...]
        nb = nb_v[...]
        nb2 = nb * nb
        lane = lax.iota(jnp.int32, _LANES)

        def hash_body(i, carry):
            r = i * _LANES
            i0 = (r + lane) * 4
            x0 = plsc.load_gather(emb_v, [i0])
            x1 = plsc.load_gather(emb_v, [i0 + 1])
            x2 = plsc.load_gather(emb_v, [i0 + 2])
            x3 = plsc.load_gather(emb_v, [i0 + 3])
            q0 = (x0 * scale).astype(jnp.int32)
            q1 = (x1 * scale).astype(jnp.int32)
            q2 = (x2 * scale).astype(jnp.int32)
            hv = jnp.where(x3 < 0.02, 0, 1 + q0 * nb2 + q1 * nb + q2)
            tbl_v[pl.ds(r, _LANES)] = hv
            return carry

        lax.fori_loop(0, v // _LANES, hash_body, 0)
        gold_dma.wait()

        def gather_body(i, carry):
            r = i * _LANES
            g = gold_v[pl.ds(r, _LANES)]
            h_v[pl.ds(r, _LANES)] = plsc.load_gather(tbl_v, [g])
            return carry

        lax.fori_loop(0, per_w // _LANES, gather_body, 0)
        pltpu.sync_copy(h_v, h_hbm.at[pl.ds(base, per_w)])

    return sc_kernel(gold_flat, emb_flat, scale_vec, nbins_vec)


def _tc_nll_sum(scores3, h3):
    b, c, s = scores3.shape
    blk = s
    bb = 2

    def body(x_ref, h_ref, o_ref):
        x = x_ref[...]
        se = jnp.sum(jnp.exp(x), axis=1, keepdims=True)
        hh = h_ref[...]
        cid = lax.broadcasted_iota(jnp.int32, (bb, c, blk), 1)
        pick = jnp.sum(jnp.where(cid == hh, x, 0.0), axis=1, keepdims=True)
        part = jnp.sum(jnp.log(se) - pick)

        @pl.when(pl.program_id(0) == 0)
        def _init():
            o_ref[0, 0] = 0.0

        o_ref[0, 0] += part

    out = pl.pallas_call(
        body,
        grid=(b // bb,),
        in_specs=[
            pl.BlockSpec((bb, c, blk), lambda bi: (bi, 0, 0)),
            pl.BlockSpec((bb, 1, blk), lambda bi: (bi, 0, 0)),
        ],
        out_specs=pl.BlockSpec(memory_space=pltpu.SMEM),
        out_shape=jax.ShapeDtypeStruct((1, 1), jnp.float32),
    )(scores3, h3)
    return out[0, 0]


def kernel(gold, scores, nbins, embed_weight):
    b, c = scores.shape[0], scores.shape[1]
    s = scores.shape[2] * scores.shape[3] * scores.shape[4]
    n = gold.size
    scale_vec = jnp.full((_LANES,), nbins - jnp.float32(0.001), jnp.float32)
    nbins_vec = jnp.full((_LANES,), nbins, jnp.int32)
    h = _sc_hash_gather(gold.reshape(-1), embed_weight.reshape(-1),
                        scale_vec, nbins_vec)
    total = _tc_nll_sum(scores.reshape(b, c, s), h.reshape(b, 1, s))
    return total / n

# --- scband reference (transcript-rebuilt; emitter-appended) ---
"""Pipeline reference for scband-conv-nll-15126874816684 (READ-ONLY COPY).

The authoritative reference and input builder live on the scoring server;
editing this copy changes nothing except your own understanding.
"""

import jax, jax.numpy as jnp
import numpy as np


def color_hash(x, nbins):
    q = jnp.floor(x[:, :3] * (nbins - 0.001)).astype(jnp.int32)
    zero_mask = x[:, 3] < 0.02
    q = jnp.where(zero_mask[:, None], 0, q)
    b = 1 - zero_mask.astype(jnp.int32)
    return b + q[:, 0] * nbins ** 2 + q[:, 1] * nbins + q[:, 2]


def setup_inputs(seed: int = 0):
    key = jax.random.key(seed)
    k1, k2, k3 = jax.random.split(key, 3)
    gold = jax.random.randint(k1, (16, 32, 32, 32), 0, 5120, dtype=jnp.int32)
    scores = jax.random.normal(k2, (16, 28, 32, 32, 32), dtype=jnp.float32)
    # frozen RGBA embedding table (256 * max_meta = 5120 rows, 4 channels),
    # values in [0,1) standing in for block colors loaded from pickle in the original
    embed_weight = jax.random.uniform(k3, (5120, 4), dtype=jnp.float32)
    return {"gold": gold, "scores": scores, "nbins": 3, "embed_weight": embed_weight}


def reference(gold, scores, nbins, embed_weight):
    g = gold.reshape(-1)
    embedded_gold = jnp.take(embed_weight, g, axis=0)
    hashed_eg = color_hash(embedded_gold, nbins)
    c = scores.shape[1]
    s = jnp.transpose(scores, (0, 2, 3, 4, 1)).reshape(-1, c)
    lsm = jax.nn.log_softmax(s, axis=-1)
    picked = jnp.take_along_axis(lsm, hashed_eg[:, None], axis=1)[:, 0]
    return -jnp.mean(picked)

if __name__ == "__main__":
    import jax
    _d = setup_inputs()
    print(jax.jit(kernel)(*tuple(_d.values())))

</pallas_src>

<mosaic_0001>
#map = affine_map<(d0, d1) -> (0)>
module attributes {stable_mosaic.version = 14 : i64} {
  func.func @sc_kernel(%arg0: i32, %arg1: i32, %arg2: memref<524288xi32, #tpu.memory_space<hbm>>, %arg3: memref<20480xf32, #tpu.memory_space<hbm>>, %arg4: memref<16xf32, #tpu.memory_space<hbm>>, %arg5: memref<16xi32, #tpu.memory_space<hbm>>, %arg6: memref<524288xi32, #tpu.memory_space<hbm>>, %arg7: memref<20480xf32, #tpu.memory_space<vmem>>, %arg8: memref<5120xi32, #tpu.memory_space<vmem>>, %arg9: memref<16384xi32, #tpu.memory_space<vmem>>, %arg10: memref<16384xi32, #tpu.memory_space<vmem>>, %arg11: memref<16xf32, #tpu.memory_space<vmem>>, %arg12: memref<16xi32, #tpu.memory_space<vmem>>, %arg13: memref<!tpu.dma_semaphore, #tpu.memory_space<semaphore_mem>>) attributes {dimension_semantics = [#tpu.dimension_semantics<core_parallel>, #tpu.dimension_semantics<subcore_parallel>], iteration_bounds = array<i64: 2, 16>, scalar_prefetch = 0 : i64, scratch_operands = 7 : i64, tpu.core_type = #tpu.core_type<sc_vector_subcore>, window_params = [{transform_indices = #map}, {transform_indices = #map}, {transform_indices = #map}, {transform_indices = #map}, {transform_indices = #map}]} {
    %mul3A = arith.constant 2 : i32
    %mul3A_0 = arith.muli %arg1, %mul3A : i32
    %add3A = arith.addi %mul3A_0, %arg0 : i32
    %mul3A_1 = arith.constant 16384 : i32
    %mul3A_2 = arith.muli %add3A, %mul3A_1 : i32
    %dma_start3A = tpu.memref_slice %arg2[%mul3A_2] : memref<524288xi32, #tpu.memory_space<hbm>> -> memref<16384xi32, #tpu.memory_space<hbm>>
    %dma_start3A_3 = tpu.memref_slice %arg2[%mul3A_2] : memref<524288xi32, #tpu.memory_space<hbm>> -> memref<16384xi32, #tpu.memory_space<hbm>>
    tpu.enqueue_dma source(%dma_start3A_3 : memref<16384xi32, #tpu.memory_space<hbm>>) target(%arg9 : memref<16384xi32, #tpu.memory_space<vmem>>) target_semaphore(%arg13 : memref<!tpu.dma_semaphore, #tpu.memory_space<semaphore_mem>>)
    "tpu.region"() ({
      %run_scoped3A = tpu.sem_alloc : memref<!tpu.dma_semaphore, #tpu.memory_space<semaphore_mem>>
      tpu.enqueue_dma source(%arg3 : memref<20480xf32, #tpu.memory_space<hbm>>) target(%arg7 : memref<20480xf32, #tpu.memory_space<vmem>>) target_semaphore(%run_scoped3A : memref<!tpu.dma_semaphore, #tpu.memory_space<semaphore_mem>>)
      tpu.wait_dma2 semaphore(%run_scoped3A : memref<!tpu.dma_semaphore, #tpu.memory_space<semaphore_mem>>) src(%arg3 : memref<20480xf32, #tpu.memory_space<hbm>>) dst(%arg7 : memref<20480xf32, #tpu.memory_space<vmem>>)
      tpu.yield
    }) : () -> ()
    "tpu.region"() ({
      %run_scoped3A = tpu.sem_alloc : memref<!tpu.dma_semaphore, #tpu.memory_space<semaphore_mem>>
      tpu.enqueue_dma source(%arg4 : memref<16xf32, #tpu.memory_space<hbm>>) target(%arg11 : memref<16xf32, #tpu.memory_space<vmem>>) target_semaphore(%run_scoped3A : memref<!tpu.dma_semaphore, #tpu.memory_space<semaphore_mem>>)
      tpu.wait_dma2 semaphore(%run_scoped3A : memref<!tpu.dma_semaphore, #tpu.memory_space<semaphore_mem>>) src(%arg4 : memref<16xf32, #tpu.memory_space<hbm>>) dst(%arg11 : memref<16xf32, #tpu.memory_space<vmem>>)
      tpu.yield
    }) : () -> ()
    "tpu.region"() ({
      %run_scoped3A = tpu.sem_alloc : memref<!tpu.dma_semaphore, #tpu.memory_space<semaphore_mem>>
      tpu.enqueue_dma source(%arg5 : memref<16xi32, #tpu.memory_space<hbm>>) target(%arg12 : memref<16xi32, #tpu.memory_space<vmem>>) target_semaphore(%run_scoped3A : memref<!tpu.dma_semaphore, #tpu.memory_space<semaphore_mem>>)
      tpu.wait_dma2 semaphore(%run_scoped3A : memref<!tpu.dma_semaphore, #tpu.memory_space<semaphore_mem>>) src(%arg5 : memref<16xi32, #tpu.memory_space<hbm>>) dst(%arg12 : memref<16xi32, #tpu.memory_space<vmem>>)
      tpu.yield
    }) : () -> ()
    %get3A = arith.constant 0 : index
    %get3A_4 = tpu.vector_load %arg11[%get3A] {strides = array<i32>} : memref<16xf32, #tpu.memory_space<vmem>>, vector<16xf32>,
    %get3A_5 = arith.constant 0 : index
    %get3A_6 = tpu.vector_load %arg12[%get3A_5] {strides = array<i32>} : memref<16xi32, #tpu.memory_space<vmem>>, vector<16xi32>,
    %mul3A_7 = arith.muli %get3A_6, %get3A_6 : vector<16xi32>
    %iota3A = tpu.iota {dimensions = array<i32: 0>} : vector<16xi32>
    %scan3A = arith.constant 0 : i32
    %scan3A_8 = arith.constant 0 : i32
    %scan3A_9 = arith.constant 320 : i32
    %scan3A_10 = arith.addi %scan3A_8, %scan3A_9 : i32
    %scan3A_11 = arith.constant 1 : i32
    scf.for %scan3A_20 = %scan3A_8 to %scan3A_10 step %scan3A_11  : i32 {
      %mul3A_21 = arith.constant 16 : i32
      %mul3A_22 = arith.muli %scan3A_20, %mul3A_21 : i32
      %add3A_23 = vector.broadcast %mul3A_22 : i32 to vector<16xi32>
      %add3A_24 = arith.addi %add3A_23, %iota3A : vector<16xi32>
      %mul3A_25 = arith.constant 4 : i32
      %mul3A_26 = vector.broadcast %mul3A_25 : i32 to vector<16xi32>
      %mul3A_27 = arith.muli %add3A_24, %mul3A_26 : vector<16xi32>
      %gather3A = tpu.vector_load_idx %arg7[%mul3A_27] : memref<20480xf32, #tpu.memory_space<vmem>>[vector<16xi32>], vector<16xf32>,
      %add3A_28 = arith.constant 1 : i32
      %add3A_29 = vector.broadcast %add3A_28 : i32 to vector<16xi32>
      %add3A_30 = arith.addi %mul3A_27, %add3A_29 : vector<16xi32>
      %gather3A_31 = tpu.vector_load_idx %arg7[%add3A_30] : memref<20480xf32, #tpu.memory_space<vmem>>[vector<16xi32>], vector<16xf32>,
      %add3A_32 = arith.constant 2 : i32
      %add3A_33 = vector.broadcast %add3A_32 : i32 to vector<16xi32>
      %add3A_34 = arith.addi %mul3A_27, %add3A_33 : vector<16xi32>
      %gather3A_35 = tpu.vector_load_idx %arg7[%add3A_34] : memref<20480xf32, #tpu.memory_space<vmem>>[vector<16xi32>], vector<16xf32>,
      %add3A_36 = arith.constant 3 : i32
      %add3A_37 = vector.broadcast %add3A_36 : i32 to vector<16xi32>
      %add3A_38 = arith.addi %mul3A_27, %add3A_37 : vector<16xi32>
      %gather3A_39 = tpu.vector_load_idx %arg7[%add3A_38] : memref<20480xf32, #tpu.memory_space<vmem>>[vector<16xi32>], vector<16xf32>,
      %mul3A_40 = arith.mulf %gather3A, %get3A_4 : vector<16xf32>
      %convert_element_type3A = arith.fptosi %mul3A_40 : vector<16xf32> to vector<16xi32>
      %mul3A_41 = arith.mulf %gather3A_31, %get3A_4 : vector<16xf32>
      %convert_element_type3A_42 = arith.fptosi %mul3A_41 : vector<16xf32> to vector<16xi32>
      %mul3A_43 = arith.mulf %gather3A_35, %get3A_4 : vector<16xf32>
      %convert_element_type3A_44 = arith.fptosi %mul3A_43 : vector<16xf32> to vector<16xi32>
      %lt3A = arith.constant 2.000000e-02 : f32
      %lt3A_45 = vector.broadcast %lt3A : f32 to vector<16xf32>
      %lt3A_46 = arith.cmpf olt, %gather3A_39, %lt3A_45 : vector<16xf32>
      %mul3A_47 = arith.muli %convert_element_type3A, %mul3A_7 : vector<16xi32>
      %add3A_48 = arith.constant 1 : i32
      %add3A_49 = vector.broadcast %add3A_48 : i32 to vector<16xi32>
      %add3A_50 = arith.addi %add3A_49, %mul3A_47 : vector<16xi32>
      %mul3A_51 = arith.muli %convert_element_type3A_42, %get3A_6 : vector<16xi32>
      %add3A_52 = arith.addi %add3A_50, %mul3A_51 : vector<16xi32>
      %add3A_53 = arith.addi %add3A_52, %convert_element_type3A_44 : vector<16xi32>
      %jit3A = arith.constant 0 : i32
      %broadcast_in_dim3A = vector.broadcast %jit3A : i32 to vector<16xi32>
      %select_n3A = arith.select %lt3A_46, %broadcast_in_dim3A, %add3A_53 : vector<16xi1>, vector<16xi32>
      %swap3A = arith.index_cast %mul3A_22 : i32 to index
      %swap3A_54 = tpu.vector_load %arg8[%swap3A] {strides = array<i32>} : memref<5120xi32, #tpu.memory_space<vmem>>, vector<16xi32>,
      tpu.vector_store %arg8[%swap3A], %select_n3A {strides = array<i32>} : memref<5120xi32, #tpu.memory_space<vmem>>, vector<16xi32>,
    }
    %scan3A_12 = arith.constant 320 : i32
    %dma_wait3A = tpu.memref_slice %arg2[%mul3A_2] : memref<524288xi32, #tpu.memory_space<hbm>> -> memref<16384xi32, #tpu.memory_space<hbm>>
    %dma_wait3A_13 = tpu.memref_slice %arg2[%mul3A_2] : memref<524288xi32, #tpu.memory_space<hbm>> -> memref<16384xi32, #tpu.memory_space<hbm>>
    tpu.wait_dma2 semaphore(%arg13 : memref<!tpu.dma_semaphore, #tpu.memory_space<semaphore_mem>>) src(%dma_wait3A_13 : memref<16384xi32, #tpu.memory_space<hbm>>) dst(%arg9 : memref<16384xi32, #tpu.memory_space<vmem>>)
    %scan3A_14 = arith.constant 0 : i32
    %scan3A_15 = arith.constant 0 : i32
    %scan3A_16 = arith.constant 1024 : i32
    %scan3A_17 = arith.addi %scan3A_15, %scan3A_16 : i32
    %scan3A_18 = arith.constant 1 : i32
    scf.for %scan3A_20 = %scan3A_15 to %scan3A_17 step %scan3A_18  : i32 {
      %mul3A_21 = arith.constant 16 : i32
      %mul3A_22 = arith.muli %scan3A_20, %mul3A_21 : i32
      %get3A_23 = arith.index_cast %mul3A_22 : i32 to index
      %get3A_24 = tpu.vector_load %arg9[%get3A_23] {strides = array<i32>} : memref<16384xi32, #tpu.memory_space<vmem>>, vector<16xi32>,
      %gather3A = tpu.vector_load_idx %arg8[%get3A_24] : memref<5120xi32, #tpu.memory_space<vmem>>[vector<16xi32>], vector<16xi32>,
      %swap3A = arith.index_cast %mul3A_22 : i32 to index
      %swap3A_25 = tpu.vector_load %arg10[%swap3A] {strides = array<i32>} : memref<16384xi32, #tpu.memory_space<vmem>>, vector<16xi32>,
      tpu.vector_store %arg10[%swap3A], %gather3A {strides = array<i32>} : memref<16384xi32, #tpu.memory_space<vmem>>, vector<16xi32>,
    }
    %scan3A_19 = arith.constant 1024 : i32
    "tpu.region"() ({
      %run_scoped3A = tpu.sem_alloc : memref<!tpu.dma_semaphore, #tpu.memory_space<semaphore_mem>>
      %dma_start3A_20 = tpu.memref_slice %arg6[%mul3A_2] : memref<524288xi32, #tpu.memory_space<hbm>> -> memref<16384xi32, #tpu.memory_space<hbm>>
      %dma_start3A_21 = tpu.memref_slice %arg6[%mul3A_2] : memref<524288xi32, #tpu.memory_space<hbm>> -> memref<16384xi32, #tpu.memory_space<hbm>>
      tpu.enqueue_dma source(%arg10 : memref<16384xi32, #tpu.memory_space<vmem>>) target(%dma_start3A_21 : memref<16384xi32, #tpu.memory_space<hbm>>) target_semaphore(%run_scoped3A : memref<!tpu.dma_semaphore, #tpu.memory_space<semaphore_mem>>)
      %dma_wait3A_22 = tpu.memref_slice %arg6[%mul3A_2] : memref<524288xi32, #tpu.memory_space<hbm>> -> memref<16384xi32, #tpu.memory_space<hbm>>
      %dma_wait3A_23 = tpu.memref_slice %arg6[%mul3A_2] : memref<524288xi32, #tpu.memory_space<hbm>> -> memref<16384xi32, #tpu.memory_space<hbm>>
      tpu.wait_dma2 semaphore(%run_scoped3A : memref<!tpu.dma_semaphore, #tpu.memory_space<semaphore_mem>>) src(%arg10 : memref<16384xi32, #tpu.memory_space<vmem>>) dst(%dma_wait3A_23 : memref<16384xi32, #tpu.memory_space<hbm>>)
      tpu.yield
    }) : () -> ()
    return
  }
}

module attributes {stable_mosaic.version = 14 : i64} {
  func.func @body(%arg0: i32, %arg1: memref<2x28x32768xf32, #tpu.memory_space<vmem>>, %arg2: memref<2x1x32768xi32, #tpu.memory_space<vmem>>, %arg3: memref<1x1xf32, #tpu.memory_space<smem>>) attributes {dimension_semantics = [#tpu.dimension_semantics<arbitrary>], iteration_bounds = array<i64: 8>, scalar_prefetch = 0 : i64, scratch_operands = 0 : i64, tpu.core_type = #tpu.core_type<tc>, window_params = [{transform_indices = @transform_0, window_bounds = array<i64: 2, 28, 32768>}, {transform_indices = @transform_1, window_bounds = array<i64: 2, 1, 32768>}, {transform_indices = @transform_2, window_bounds = array<i64: 1, 1>}]} {
    %get3A = arith.constant 0 : index
    %get3A_0 = arith.constant 0 : index
    %get3A_1 = arith.constant 0 : index
    %get3A_2 = vector.load %arg1[%get3A, %get3A_0, %get3A_1] : memref<2x28x32768xf32, #tpu.memory_space<vmem>>, vector<2x28x32768xf32>
    %exp3A = math.exp %get3A_2 : vector<2x28x32768xf32>
    %reduce_sum3A = arith.constant dense<0.000000e+00> : vector<2x32768xf32>
    %reduce_sum3A_3 = vector.multi_reduction <add>, %exp3A, %reduce_sum3A [1] : vector<2x28x32768xf32> to vector<2x32768xf32>
    %broadcast_in_dim3A = vector.shape_cast %reduce_sum3A_3 : vector<2x32768xf32> to vector<2x1x32768xf32>
    %get3A_4 = arith.constant 0 : index
    %get3A_5 = arith.constant 0 : index
    %get3A_6 = arith.constant 0 : index
    %get3A_7 = vector.load %arg2[%get3A_4, %get3A_5, %get3A_6] : memref<2x1x32768xi32, #tpu.memory_space<vmem>>, vector<2x1x32768xi32>
    %iota3A = tpu.iota {dimensions = array<i32: 1>} : vector<2x28x32768xi32>
    %eq3A = vector.broadcast %get3A_7 : vector<2x1x32768xi32> to vector<2x28x32768xi32>
    %eq3A_8 = arith.cmpi eq, %iota3A, %eq3A : vector<2x28x32768xi32>
    %jit3A = arith.constant 0.000000e+00 : f32
    %broadcast_in_dim3A_9 = vector.broadcast %jit3A : f32 to vector<2x28x32768xf32>
    %select_n3A = arith.select %eq3A_8, %get3A_2, %broadcast_in_dim3A_9 : vector<2x28x32768xi1>, vector<2x28x32768xf32>
    %reduce_sum3A_10 = arith.constant dense<0.000000e+00> : vector<2x32768xf32>
    %reduce_sum3A_11 = vector.multi_reduction <add>, %select_n3A, %reduce_sum3A_10 [1] : vector<2x28x32768xf32> to vector<2x32768xf32>
    %broadcast_in_dim3A_12 = vector.shape_cast %reduce_sum3A_11 : vector<2x32768xf32> to vector<2x1x32768xf32>
    %log3A = math.log %broadcast_in_dim3A : vector<2x1x32768xf32>
    %sub3A = arith.subf %log3A, %broadcast_in_dim3A_12 : vector<2x1x32768xf32>
    %reduce_sum3A_13 = vector.shape_cast %sub3A : vector<2x1x32768xf32> to vector<1x2x1x32768xf32>
    %reduce_sum3A_14 = arith.constant dense<0.000000e+00> : vector<1xf32>
    %reduce_sum3A_15 = vector.multi_reduction <add>, %reduce_sum3A_13, %reduce_sum3A_14 [1, 2, 3] : vector<1x2x1x32768xf32> to vector<1xf32>
    %reduce_sum3A_16 = vector.shape_cast %reduce_sum3A_15 : vector<1xf32> to vector<1x1x1x1xf32>
    %reduce_sum3A_17 = vector.extract %reduce_sum3A_16[0, 0, 0, 0] : f32 from vector<1x1x1x1xf32>
    %eq3A_18 = arith.constant 0 : i32
    %eq3A_19 = arith.cmpi eq, %arg0, %eq3A_18 : i32
    %convert_element_type3A = arith.extui %eq3A_19 : i1 to i32
    %cond3A = arith.constant 0 : i32
    %cond3A_20 = arith.cmpi ne, %convert_element_type3A, %cond3A : i32
    scf.if %cond3A_20 {
      %swap3A_26 = arith.constant 0.000000e+00 : f32
      %swap3A_27 = arith.constant 0 : index
      %swap3A_28 = arith.constant 0 : index
      %swap3A_29 = memref.load %arg3[%swap3A_27, %swap3A_28] : memref<1x1xf32, #tpu.memory_space<smem>>
      memref.store %swap3A_26, %arg3[%swap3A_27, %swap3A_28] : memref<1x1xf32, #tpu.memory_space<smem>>
    } else {
    }
    %get3A_21 = arith.constant 0 : index
    %get3A_22 = arith.constant 0 : index
    %get3A_23 = memref.load %arg3[%get3A_21, %get3A_22] : memref<1x1xf32, #tpu.memory_space<smem>>
    %add3A = arith.addf %get3A_23, %reduce_sum3A_17 : f32
    %swap3A = arith.constant 0 : index
    %swap3A_24 = arith.constant 0 : index
    %swap3A_25 = memref.load %arg3[%swap3A, %swap3A_24] : memref<1x1xf32, #tpu.memory_space<smem>>
    memref.store %add3A, %arg3[%swap3A, %swap3A_24] : memref<1x1xf32, #tpu.memory_space<smem>>
    return
  }
  func.func @transform_0(%arg0: i32) -> (i32, i32, i32) {
    %c0_i32 = arith.constant 0 : i32
    %c0_i32_0 = arith.constant 0 : i32
    %c0_i32_1 = arith.constant 0 : i32
    return %arg0, %c0_i32, %c0_i32_0 : i32, i32, i32
  }
  func.func @transform_1(%arg0: i32) -> (i32, i32, i32) {
    %c0_i32 = arith.constant 0 : i32
    %c0_i32_0 = arith.constant 0 : i32
    %c0_i32_1 = arith.constant 0 : i32
    return %arg0, %c0_i32, %c0_i32_0 : i32, i32, i32
  }
  func.func @transform_2(%arg0: i32) -> (i32, i32) {
    %c0_i32 = arith.constant 0 : i32
    %c0_i32_0 = arith.constant 0 : i32
    %c0_i32_1 = arith.constant 0 : i32
    return %c0_i32, %c0_i32_0 : i32, i32
  }
}

</mosaic_0001>

<sc_bundles>
// kernel: kernel.4.cloned.1.call-start
scs
__scs_entry_jumppad:
0x0: {  	(pc) =	sbr.rel $0x88, $3  }
0x1: {  	(tag) =	ssettag $0x0;
	lr =	simm.s32 $0x1  }
0x2: {  	[smem:$0x3F9D] =	sst lr;
	_ =	strace $0xD0000000  }
0x3: {  	_ = 	snop  }
0x4: {  	_ = 	snop  }
0x5: {  	_ = 	snop  }
0x6: {  	_ = 	snop  }
0x7: {  	_ = 	snop  }
__scs_overlays_trampoline_lowered:
0x8: {  	[smem:$0x3FAC] =	sst s0  }
0x9: {  	[smem:$0x3FAD] =	sst s1  }
0xa: {  	[smem:$0x3FAE] =	sst s2  }
0xb: {  	[smem:$0x3FAF] =	sst s3  }
0xc: {  	[smem:$0x3FB0] =	sst s4  }
0xd: {  	[smem:$0x3FB1] =	sst s5  }
0xe: {  	[smem:$0x3FB2] =	sst s6  }
0xf: {  	[smem:$0x3FB3] =	sst s7  }
0x10: {  	[smem:$0x3FB4] =	sst s8  }
0x11: {  	[smem:$0x3FB5] =	sst s9;
	s0 =	simm.s32 @!p0 $0x0  }
0x12: {  	s1 =	sld [smem:$0x3F9B];
	s0 =	simm.s32 @p0 $0x1  }
0x13: {  	[smem:$0x3FB6] =	sst s0;
	s0 =	simm.s32 @!p1 $0x0  }
0x14: {  	s2 =	sld [smem:$0x3F9A];
	s0 =	simm.s32 @p1 $0x1  }
0x15: {  	[smem:$0x3FB7] =	sst s0;
	s0 =	simm.s32 @!p2 $0x0  }
0x16: {  	s3 =	sld [smem:$0x3FDB];
	s0 =	simm.s32 @p2 $0x1  }
0x17: {  	s4 =	simm.s32 $0x1BF5;
	[smem:$0x3FB9] =	sst s0  }
0x18: {  	s0 =	sld [smem:$0x3F9C];
	_ =	swait.ge [sflag:s4], $0x0  }
0x19: {  	s7 =	sld [smem:$0x3F9D]  }
0x1a: {  	s8 =	sadd.s32 $0xFFFFE003, lr  }
0x1b: {  	s9 =	sadd.s32 $0xFFFFFEF7, lr;
	s5 =	simm.s32 $0xFFFFFFFF;
	p2 =	slt.u32 s8, $0xFFFFF086  }
0x1c: {  	p1 =	slt.u32 s9, $0xF7A;
	s5 =	simm.s32 @!p2 $0x0  }
0x1d: {  	s5 =	simm.s32 @p1 $0x1;
	p0 =	seq.s32 s7, s2  }
0x1e: {  	s7 =	smul.u32 @!p0 $0xF7A, s2;
	p2 =	seq.s32 @!p0 s5, $0x0  }
0x1f: {  	s9 =	smul.u32 $0xF7A, s1;
	s8 =	simm.s32 @!p0 $0x1BF5;
	p2 =	por !p2, p0  }
0x20: {  	[sflag:s8] =	ssyncset.s32 @!p0 $0xFFFFF086;
	s6 =	sadd.s32 @!p0 s3, s7;
	s7 =	simm.s32 @!p0 $0x108  }
0x21: {  	s3 =	sadd.s32 s3, s9;
	s6 =	sadd.s32 @!p0 $0x88, s6;
	s7 =	simm.s32 @p2 $0x1082  }
0x22: {  	[simem:s7], [sflag:s8] =	dma.local @!p0 [hbm:s6], $0xF7A  }
0x23: {  	s9 =	sor.u32 $0xD0000000, s2;
	s6 =	simm.s32 $0x108;
	_ =	swait.ge @!p0 [sflag:s8], $0x0  }
0x24: {  	s3 =	sadd.s32 $0x88, s3;
	s6 =	simm.s32 @!p1 $0x1082;
	[sflag:s4] =	ssyncset.s32 $0xFFFFF086  }
0x25: {  	[simem:s6], [sflag:s4] =	dma.local [hbm:s3], $0xF7A  }
0x26: {  	[smem:$0x3F9D] =	sst s1;
	(tag) =	ssettag s2;
	_ =	strace s9  }
0x27: {  	s1 =	sld [smem:$0x3FAD]  }
0x28: {  	s2 =	sld [smem:$0x3FAE]  }
0x29: {  	s4 =	sld [smem:$0x3FB0]  }
0x2a: {  	p0 =	seq.s32 s5, $0x0;
	s5 =	sld [smem:$0x3FB1]  }
0x2b: {  	s6 =	sld [smem:$0x3FB2]  }
0x2c: {  	s7 =	sld [smem:$0x3FB3]  }
0x2d: {  	s3 =	simm.s32 $0x108;
	s8 =	sld [smem:$0x3FB4]  }
0x2e: {  	s3 =	simm.s32 @!p0 $0x1082;
	s9 =	sld [smem:$0x3FB5]  }
0x2f: {  	lr =	sadd.s32 s0, s3;
	s0 =	sld [smem:$0x3FAC]  }
0x30: {  	s3 =	sld [smem:$0x3FAF]  }
0x31: {  	[smem:$0x3FB8] =	sst s10  }
0x32: {  	s10 =	sld [smem:$0x3FB6];
	_ =	sdelay $0x3  }
0x33: {  	p0 =	seq.s32 s10, $0x1;
	s10 =	sld [smem:$0x3FB8];
	_ =	sdelay $0x3  }
0x34: {  	[smem:$0x3FB8] =	sst s10  }
0x35: {  	s10 =	sld [smem:$0x3FB7];
	_ =	sdelay $0x3  }
0x36: {  	p1 =	seq.s32 s10, $0x1;
	s10 =	sld [smem:$0x3FB8];
	_ =	sdelay $0x3  }
0x37: {  	[smem:$0x3FB8] =	sst s10  }
0x38: {  	s10 =	sld [smem:$0x3FB9]  }
0x39: {  	_ = 	snop;
	(pc) =	sbr.ind lr, $3  }
0x3a: {  	_ = 	snop  }
0x3b: {  	_ = 	snop  }
0x3c: {  	p2 =	seq.s32 s10, $0x1;
	s10 =	sld [smem:$0x3FB8]  }
0x3d: {  	_ =	shalt  }
0x3e: {  	_ =	shalt  }
0x3f: {  	_ =	shalt  }
0x40: {  	_ =	shalt  }
0x41: {  	_ =	shalt  }
0x42: {  	_ =	shalt  }
0x43: {  	_ =	shalt  }
0x44: {  	_ =	shalt  }
0x45: {  	_ =	shalt  }
0x46: {  	_ =	shalt  }
0x47: {  	_ =	shalt  }
0x48: {  	_ =	shalt  }
0x49: {  	_ =	shalt  }
0x4a: {  	_ =	shalt  }
0x4b: {  	_ =	shalt  }
0x4c: {  	_ =	shalt  }
0x4d: {  	_ =	shalt  }
0x4e: {  	_ =	shalt  }
0x4f: {  	_ =	shalt  }
0x50: {  	_ =	shalt  }
0x51: {  	_ =	shalt  }
0x52: {  	_ =	shalt  }
0x53: {  	_ =	shalt  }
0x54: {  	_ =	shalt  }
0x55: {  	_ =	shalt  }
0x56: {  	_ =	shalt  }
0x57: {  	_ =	shalt  }
0x58: {  	_ =	shalt  }
0x59: {  	_ =	shalt  }
0x5a: {  	_ =	shalt  }
0x5b: {  	_ =	shalt  }
0x5c: {  	_ =	shalt  }
0x5d: {  	_ =	shalt  }
0x5e: {  	_ =	shalt  }
0x5f: {  	_ =	shalt  }
0x60: {  	_ =	shalt  }
0x61: {  	_ =	shalt  }
0x62: {  	_ =	shalt  }
0x63: {  	_ =	shalt  }
0x64: {  	_ =	shalt  }
0x65: {  	_ =	shalt  }
0x66: {  	_ =	shalt  }
0x67: {  	_ =	shalt  }
0x68: {  	_ =	shalt  }
0x69: {  	_ =	shalt  }
0x6a: {  	_ =	shalt  }
0x6b: {  	_ =	shalt  }
0x6c: {  	_ =	shalt  }
0x6d: {  	_ =	shalt  }
0x6e: {  	_ =	shalt  }
0x6f: {  	_ =	shalt  }
0x70: {  	_ =	shalt  }
0x71: {  	_ =	shalt  }
0x72: {  	_ =	shalt  }
0x73: {  	_ =	shalt  }
0x74: {  	_ =	shalt  }
0x75: {  	_ =	shalt  }
0x76: {  	_ =	shalt  }
0x77: {  	_ =	shalt  }
0x78: {  	_ =	shalt  }
0x79: {  	_ =	shalt  }
0x7a: {  	_ =	shalt  }
0x7b: {  	_ =	shalt  }
0x7c: {  	_ =	shalt  }
0x7d: {  	_ =	shalt  }
0x7e: {  	_ =	shalt  }
0x7f: {  	_ =	shalt  }
0x80: {  	_ =	shalt  }
0x81: {  	_ =	shalt  }
0x82: {  	_ =	shalt  }
0x83: {  	_ =	shalt  }
0x84: {  	_ =	shalt  }
0x85: {  	_ =	shalt  }
0x86: {  	_ =	shalt  }
0x87: {  	_ =	shalt  }
.Lfunc_end0:
.L_simem_size_0:
called_computation_lowered:
.L_overlay_start_0:
0x88: {  	s2 =	sld [smem:$0x3FD9]  }
0x89: {  	s3 =	sld [smem:$0x3FFE];
	_ =	sdelay $0x1  }
0x8a: {  	s1 =	srdreg.scid  }
0x8b: {  	s0 =	sand.u32 $0x1, s1  }
0x8c: {  	s17 =	sshll.u32 s0, $0xA;
	s2 =	sadd.s32 s3, s2  }
0x8d: {  	s2 =	sadd.s32 s2, s17  }
0x8e: {  	[smem:$0x3FC4] =	sst s2  }
0x8f: {  	_ = 	snop  }
0x90: {  	s2 =	sld [smem:$0x3FD0];
	(tm) =	ssettm $0x1  }
0x91: {  	s18 =	sld [smem:$0x3FFB];
	_ =	sdelay $0x3  }
0x92: {  	_ =	strace s18  }
0x93: {  	s3 =	sld [smem:$0x3FFC];
	_ =	sdelay $0x3  }
0x94: {  	_ =	strace s3  }
0x95: {  	s3 =	sld [smem:$0x3FFD];
	_ =	sdelay $0x3  }
0x96: {  	_ =	strace s3  }
0x97: {  	_ =	strace $0x8FFFFFFF  }
0x98: {  	s19 =	sld [smem:$0x3FDB];
	_ =	sdelay $0x1  }
0x99: {  	s4 =	simm.s32 $_scs_section_size  }
0x9a: {  	s5 =	simm.s32 $_size__tile_overlayer_lowered;
	s6 =	simm.s32 $_tile_overlayer_lowered  }
0x9b: {  	s22 =	simm.s32 $0x1BFF;
	s21 =	sshll.u32 s6, $0x1;
	s3 =	sadd.s32 s4, s19  }
0x9c: {  	s7 =	simm.s32 $0x0;
	s20 =	sshll.u32 s5, $0x1;
	s5 =	sadd.s32 s21, s3  }
0x9d: {  	[timem:s7], [sflag:s22] =	dma.local [hbm:s5], s20  }
0x9e: {  	_ =	swait.ge [sflag:s22], s20  }
0x9f: {  	s4 =	ssub.s32 $0x0, s20;
	[sflag:s22] =	ssyncset.done $0x0  }
0xa0: {  	[sflag:s22] =	ssyncadd.s32 s4;
	_ =	sdelay $0x1  }
0xa1: {  	s23 =	simm.s32 $0x1B8B  }
0xa2: {  	_ =	swait.ge [sflag:s23], $0x1  }
0xa3: {  	[sflag:s23] =	ssyncset.done $0x0  }
0xa4: {  	s25 =	simm.s32 $0x1B8E;
	s24 =	sld [smem:$0x3FFE];
	[sflag:s23] =	ssyncadd.s32 $0xFFFFFFFF  }
0xa5: {  	s26 =	simm.s32 $execute0_lowered;
	[smem:$0x3FD2] =	sst s25  }
0xa6: {  	s5 =	sshll.u32 s26, $0x1;
	_ =	strace $0x80000046;
	[dreg:$0x1] =	wrdreg $0xFFFFFFFF  }
0xa7: {  	s28 =	simm.s32 $_size_execute0_lowered;
	s3 =	sadd.s32 s3, s5;
	[dreg:$0x0] =	wrdreg $0x0  }
0xa8: {  	s5 =	sshll.u32 s28, $0x1;
	[dreg:$0x2] =	wrdreg s3  }
0xa9: {  	[dreg:$0x3] =	wrdreg s5  }
0xaa: {  	[dreg:$0x4] =	wrdreg $0xC0  }
0xab: {  	_ =	task [dreg:s7], $0x5FFFF  }
0xac: {  	[dreg:$0x1] =	wrdreg $0xFFFFFFFF  }
0xad: {  	[dreg:$0x0] =	wrdreg $0x60  }
0xae: {  	[dreg:$0x2] =	wrdreg s24  }
0xaf: {  	[dreg:$0x3] =	wrdreg s2  }
0xb0: {  	[dreg:$0x4] =	wrdreg $0x9  }
0xb1: {  	_ =	task.clear_ibuf [dreg:s7], $0x5FFFF;
	_ =	strace $0x90000046  }
0xb2: {  	s29 =	simm.s32 $0x9;
	_ =	strace $0x80000048  }
0xb3: {  	_ =	swait.ge [sflag:s29], $0x1  }
0xb4: {  	[sflag:s29] =	ssyncadd.s32 $0xFFFFFFFF  }
0xb5: {  	_ =	strace $0x90000048  }
0xb6: {  	_ =	sfence  }
0xb7: {  	s30 =	sld [smem:$0x0];
	_ =	sdelay $0x2  }
0xb8: {  	s31 =	sshll.u32 s1, $0xD;
	s1 =	sshrl.u32 s1, $0x2  }
0xb9: {  	s3 =	sand.u32 $0x4000, s31;
	s1 =	sadd.s32 s1, s30  }
0xba: {  	s0 =	sor.u32 s3, s0;
	s1 =	sshll.u32 s1, $0x11  }
0xbb: {  	s0 =	sor.u32 s1, s0  }
0xbc: {  	s0 =	sadd.s32 $0x8F2B, s0  }
0xbd: {  	[sflag:s0] =	ssyncadd.remote.s32 $0x1  }
0xbe: {  	_ =	sfence.sel $0xFFFF  }
0xbf: {  	[dreg:$0x0] =	wrdreg $0xFFFFFFFF;
	(pc) =	sbr.abs _section_cstart, $3  }
0xc0: {  	[dreg:$0x1] =	wrdreg $0xFFFFFFFF  }
0xc1: {  	_ =	task.clear_ibuf [dreg:s7], $0x2FFFF;
	_ =	strace $0x9FFFFFFF  }
0xc2: {  	(tm) =	ssettm $0x7FFFFFFF  }
0xc3: {  	_ =	shalt  }
tec
execute0_lowered:
.L_overlay_start_1:
0x0: {  	(tag) =	ssettag $0x1  }
0x1: {  	s6 =	rddreg [dreg:$0x0]  }
0x2: {  	s1 =	rddreg [dreg:$0x1]  }
0x3: {  	s0 =	rddreg [dreg:$0x2];
	s3 =	simm.s32 $0x0;
	s4 =	srdreg.scid  }
0x4: {  	s2 =	stileid.u32;
	s9 =	simm.s32 $0x6400;
	s10 =	simm.s32 $0x2  }
0x5: {  	s11 =	simm.s32 $0xE400;
	s12 =	simm.s32 $0xE480;
	s13 =	simm.s32 $0x1  }
0x6: {  	s14 =	simm.s32 $0x5000;
	s15 =	simm.s32 $0xA400;
	s16 =	simm.s32 $0x0  }
0x7: {  	[smem:$0x7FF] =	sst s3;
	s5 =	sand.u32 $0x1, s4;
	s7 =	sshll.u32 s2, $0xC  }
0x8: {  	s4 =	sadd.s32 $0x10800, s6;
	s8 =	sshll.u32 s5, $0xB;
	s30 =	ssub.s32 $0x2, s5  }
0x9: {  	_ =	strace $0x80000047;
	s7 =	sor.u32 s8, s7;
	s31 =	sshrl.u32 s30, $0x1  }
0xa: {  	v0 =	vlaneseq.u32;
	s5 =	sadd.s32 $0x11200, s6;
	s7 =	sadd.s32 s7, s6;
	s8 =	ssub.s32 s30, s31  }
0xb: {  	v0 =	vmul.u32 $0x4, v0;
	s6 =	sadd.s32 $0x800, s7;
	s7 =	sadd.s32 $0x11400, s7;
	s8 =	smax.u32 s8, $0x1  }
.LBB2_1:
0xc: {  	[tilespmem:s9], [sflag:$0x1] =	stream.linear.gather [hbm4b:s6+s3], $0x4000, $0x38;
	[tilespmem:$0xE500] =	vst v63  }
0xd: {  	_ = 	snop  }
0xe: {  	[tilespmem:s3], [sflag:$0x2] =	stream.linear.gather [hbm4b:s4+s3], $0x5000, $0x38;
	[tilespmem:$0xE500] =	vst v63  }
0xf: {  	_ =	swait.ge [sflag:s10], $0x5000  }
0x10: {  	[sflag:s10] =	ssyncset.done $0x0  }
0x11: {  	[sflag:s10] =	ssyncadd.s32 $0xFFFFB000  }
0x12: {  	[tilespmem:s11], [sflag:$0x2] =	stream.linear.gather [hbm4b:s1+s3], $0x80, $0x38;
	[tilespmem:$0xE500] =	vst v63  }
0x13: {  	_ =	swait.ge [sflag:s10], $0x80  }
0x14: {  	v1 =	vmov s3;
	[sflag:s10] =	ssyncset.done $0x0  }
0x15: {  	v1 =	vshll.u32 v1, $0x2;
	[sflag:s10] =	ssyncadd.s32 $0xFFFFFF80  }
0x16: {  	v3 =	vor.u32 v0, v1;
	[tilespmem:s12], [sflag:$0x2] =	stream.linear.gather [hbm4b:s5+s3], $0x80, $0x38;
	[tilespmem:$0xE500] =	vst v63  }
0x17: {  	_ =	swait.ge [sflag:s10], $0x80  }
0x18: {  	v1 =	vor.u32 $0x1, v3;
	[sflag:s10] =	ssyncset.done $0x0  }
0x19: {  	[sflag:s10] =	ssyncadd.s32 $0xFFFFFF80  }
0x1a: {  	v2 =	vld [tilespmem:$0xE400]  }
0x1b: {  	v5 =	vor.u32 $0x2, v3;
	v4 =	vld.idx.msk [tilespmem:v3+s3+$0x0], $0xffff;
	_ =	sdelay $0x1  }
0x1c: {  	v6 =	vld.idx.msk [tilespmem:v1+s3+$0x0], $0xffff;
	_ =	sdelay $0x1  }
0x1d: {  	v1 =	vld [tilespmem:$0xE480]  }
0x1e: {  	v5 =	vld.idx.msk [tilespmem:v5+s3+$0x0], $0xffff;
	v4 =	vmul.f32 v4, v2  }
0x1f: {  	v3 =	vor.u32 $0x3, v3  }
0x20: {  	v6 =	vmul.f32 v6, v2;
	v4 =	vtrunc.f32 v4  }
0x21: {  	v4 =	vcvt.f32.s32 v4  }
0x22: {  	v6 =	vtrunc.f32 v6  }
0x23: {  	v5 =	vmul.f32 v5, v2;
	v6 =	vcvt.f32.s32 v6;
	v4 =	vmul.u32 v4, v1  }
0x24: {  	s17 =	simm.s32 $0x10;
	v3 =	vld.idx.msk [tilespmem:v3+s3+$0x0], $0xffff  }
0x25: {  	v7 =	vmov s17;
	v5 =	vtrunc.f32 v5;
	v4 =	vadd.s32 v6, v4  }
0x26: {  	v5 =	vcvt.f32.s32 v5;
	v6 =	vshll.u32 v7, $0x2;
	v4 =	vmul.u32 v1, v4  }
0x27: {  	v6 =	vor.u32 v0, v6  }
0x28: {  	v4 =	vadd.s32 v4, v5  }
0x29: {  	vm0 =	vlt.f32 v3, $1.999999960e-02;
	v5 =	vor.u32 $0x1, v6;
	v3 =	vadd.s32 $0x1, v4  }
0x2a: {  	v3 =	vsel vm0, $0x0, v3  }
0x2b: {  	[tilespmem:s14+$0x0] =	vst v3  }
0x2c: {  	v4 =	vor.u32 $0x2, v6;
	v3 =	vld.idx.msk [tilespmem:v6+s3+$0x0], $0xffff;
	_ =	sdelay $0x1  }
0x2d: {  	v5 =	vld.idx.msk [tilespmem:v5+s3+$0x0], $0xffff;
	_ =	sdelay $0x2  }
0x2e: {  	v4 =	vld.idx.msk [tilespmem:v4+s3+$0x0], $0xffff;
	v3 =	vmul.f32 v3, v2  }
0x2f: {  	v6 =	vor.u32 $0x3, v6  }
0x30: {  	v5 =	vmul.f32 v5, v2;
	v3 =	vtrunc.f32 v3  }
0x31: {  	v3 =	vcvt.f32.s32 v3  }
0x32: {  	v5 =	vtrunc.f32 v5  }
0x33: {  	v7 =	vcvt.f32.s32 v5;
	v5 =	vmul.f32 v4, v2;
	v8 =	vmul.u32 v3, v1  }
0x34: {  	s31 =	simm.s32 $0x20;
	v3 =	vld.idx.msk [tilespmem:v6+s3+$0x0], $0xffff  }
0x35: {  	s18 =	simm.s32 $0x30;
	s17 =	simm.s32 $0x5000;
	v4 =	vmov s31;
	v5 =	vtrunc.f32 v5;
	v6 =	vadd.s32 v7, v8  }
.LBB2_2:
0x36: {  	p0 =	sne.s32 s18, $0x13F0;
	v4 =	vshll.u32 v4, $0x2;
	v5 =	vcvt.f32.s32 v5;
	v6 =	vmul.u32 v1, v6  }
0x37: {  	v4 =	vor.u32 v0, v4  }
0x38: {  	v5 =	vadd.s32 v6, v5  }
0x39: {  	v6 =	vor.u32 $0x1, v4;
	vm0 =	vlt.f32 v3, $1.999999960e-02;
	v3 =	vadd.s32 $0x1, v5  }
0x3a: {  	s17 =	sadd.s32 $0x10, s17;
	v3 =	vsel vm0, $0x0, v3  }
0x3b: {  	[tilespmem:s17+$0x0] =	vst v3  }
0x3c: {  	v5 =	vor.u32 $0x2, v4;
	v3 =	vld.idx.msk [tilespmem:v4+s3+$0x0], $0xffff;
	_ =	sdelay $0x1  }
0x3d: {  	v6 =	vld.idx.msk [tilespmem:v6+s3+$0x0], $0xffff;
	_ =	sdelay $0x2  }
0x3e: {  	v5 =	vld.idx.msk [tilespmem:v5+s3+$0x0], $0xffff  }
0x3f: {  	v4 =	vor.u32 $0x3, v4;
	v3 =	vmul.f32 v3, v2;
	_ =	sdelay $0x1  }
0x40: {  	v3 =	vtrunc.f32 v3;
	v6 =	vmul.f32 v6, v2  }
.Ltmp0:
0x41: {  	v7 =	vcvt.f32.s32 v3;
	(pc) =	sbr.rel @p0 .LBB2_2-.Ltmp0, $3  }
0x42: {  	v6 =	vtrunc.f32 v6  }
0x43: {  	v6 =	vcvt.f32.s32 v6;
	v5 =	vmul.f32 v5, v2;
	v7 =	vmul.u32 v7, v1;
	v3 =	vld.idx.msk [tilespmem:v4+s3+$0x0], $0xffff;
	_ =	sdelay $0x1  }
0x44: {  	v4 =	vmov s18;
	s18 =	sadd.s32 $0x10, s18;
	v5 =	vtrunc.f32 v5;
	v6 =	vadd.s32 v6, v7  }
0x45: {  	v4 =	vshll.u32 v4, $0x2;
	v5 =	vcvt.f32.s32 v5;
	v6 =	vmul.u32 v1, v6  }
0x46: {  	v4 =	vor.u32 v0, v4  }
0x47: {  	v5 =	vadd.s32 v6, v5  }
0x48: {  	v62 =	vor.u32 $0x1, v4;
	vm0 =	vlt.f32 v3, $1.999999960e-02;
	v3 =	vadd.s32 $0x1, v5  }
0x49: {  	s17 =	sadd.s32 $0x10, s17;
	v3 =	vsel vm0, $0x0, v3  }
0x4a: {  	[tilespmem:s17+$0x0] =	vst v3  }
0x4b: {  	v63 =	vor.u32 $0x2, v4;
	v3 =	vld.idx.msk [tilespmem:v4+s3+$0x0], $0xffff;
	_ =	sdelay $0x1  }
0x4c: {  	v6 =	vld.idx.msk [tilespmem:v62+s3+$0x0], $0xffff;
	_ =	sdelay $0x2  }
0x4d: {  	v5 =	vld.idx.msk [tilespmem:v63+s3+$0x0], $0xffff;
	v3 =	vmul.f32 v3, v2  }
0x4e: {  	v4 =	vor.u32 $0x3, v4  }
0x4f: {  	v6 =	vmul.f32 v6, v2;
	v3 =	vtrunc.f32 v3  }
0x50: {  	v3 =	vcvt.f32.s32 v3  }
0x51: {  	v6 =	vtrunc.f32 v6  }
0x52: {  	v2 =	vmul.f32 v5, v2;
	v6 =	vcvt.f32.s32 v6;
	v3 =	vmul.u32 v3, v1  }
0x53: {  	v4 =	vld.idx.msk [tilespmem:v4+s3+$0x0], $0xffff  }
0x54: {  	v2 =	vtrunc.f32 v2;
	v3 =	vadd.s32 v6, v3  }
0x55: {  	v2 =	vcvt.f32.s32 v2;
	v1 =	vmul.u32 v1, v3;
	_ =	sdelay $0x1  }
0x56: {  	v1 =	vadd.s32 v1, v2  }
0x57: {  	vm15 =	vlt.f32 v4, $1.999999960e-02;
	v1 =	vadd.s32 $0x1, v1  }
0x58: {  	s17 =	sadd.s32 $0x10, s17;
	v1 =	vsel vm15, $0x0, v1  }
0x59: {  	[tilespmem:s17+$0x0] =	vst v1  }
0x5a: {  	_ =	swait.ge [sflag:s13], $0x4000  }
0x5b: {  	[sflag:s13] =	ssyncset.done $0x0  }
0x5c: {  	s17 =	simm.s32 $0x0;
	[sflag:s13] =	ssyncadd.s32 $0xFFFFC000  }
0x5d: {  	v1 =	vld [tilespmem:s17+$0x6400];
	_ =	sdelay $0x7  }
0x5e: {  	s18 =	simm.s32 $0x10;
	s19 =	simm.s32 $0x80;
	v1 =	vld.idx.msk [tilespmem:v1+s14+$0x0], $0xffff  }
.LBB2_4:
0x5f: {  	p0 =	sne.s32 s19, $0xFFC0;
	v2 =	vld [tilespmem:s18+$0x6400];
	_ =	sdelay $0x3  }
.Ltmp1:
0x60: {  	(pc) =	sbr.rel @p0 .LBB2_4-.Ltmp1, $2  }
0x61: {  	[tilespmem:s17+$0xA400] =	vst v1;
	s17 =	smov.u32 s18;
	_ =	sdelay $0x2  }
0x62: {  	s18 =	sshra.s32 s19, $0x2;
	s19 =	sadd.s32 $0x40, s19;
	v1 =	vld.idx.msk [tilespmem:v2+s14+$0x0], $0xffff  }
0x63: {  	v2 =	vld [tilespmem:s18+$0x6400];
	_ =	sdelay $0x6  }
0x64: {  	[tilespmem:s17+$0xA400] =	vst v1  }
0x65: {  	v1 =	vld.idx.msk [tilespmem:v2+s14+$0x0], $0xffff;
	_ =	sdelay $0x2  }
0x66: {  	s16 =	sadd.s32 $0x1, s16  }
0x67: {  	p0 =	sne.s32 s16, s8  }
.Ltmp2:
0x68: {  	[tilespmem:s18+$0xA400] =	vst v1;
	(pc) =	sbr.rel @p0 .LBB2_1-.Ltmp2, $4  }
0x69: {  	[hbm4b:s7+s3] =	stream.linear.scatter [tilespmem:s15], [sflag:$0x2], $0x4000, $0x38;
	[tilespmem:$0xE500] =	vst v63  }
0x6a: {  	_ =	swait.ge [sflag:s10], $0x4000  }
0x6b: {  	[sflag:s10] =	ssyncset.done $0x0  }
0x6c: {  	[sflag:s10] =	ssyncadd.s32 $0xFFFFC000  }
0x6d: {  	_ =	sfence.sel $0x180000  }
0x6e: {  	[bflag:$0x0] =	sbarrier.arrive $0xFFFF  }
0x6f: {  	p0 =	sne.s32 s2, $0x0;
	_ =	strace $0x90000047  }
0x70: {  	s0 =	sadd.s32 @!p0 $0x100000, s0;
	[bflag:$0x2] =	sbarrier.arrive $0xFFFF  }
0x71: {  	[sflag:s0] =	ssyncadd.tile.s32 @!p0 $0x1;
	_ =	shalt  }
.Lfunc_end2:
_tile_overlayer_lowered:
.L_overlay_start_2:
0x72: {  	(tag) =	ssettag $0x2  }
0x73: {  	s0 =	rddreg [dreg:$0x0];
	s2 =	stileid.u32  }
0x74: {  	s1 =	rddreg [dreg:$0x1];
	p0 =	sne.s32 s2, $0x0  }
0x75: {  	s3 =	rddreg [dreg:$0x2];
	[bflag:$0x3] =	sbarrier.arrive $0xFFFF;
	s2 =	simm.s32 @!p0 $0x1C02  }
0x76: {  	[timem:s3], [sflag:s2] =	dma.local @!p0 [hbm:s0], s1  }
0x77: {  	s0 =	simm.s32 @!p0 $0x2  }
0x78: {  	_ =	swait.ge @!p0 [sflag:s0], s1  }
0x79: {  	s1 =	ssub.s32 @!p0 $0x0, s1;
	[sflag:s0] =	ssyncset.done @!p0 $0x0  }
0x7a: {  	[sflag:s0] =	ssyncadd.s32 @!p0 s1  }
0x7b: {  	[bflag:$0x3] =	sbarrier.arrive $0xFFFF  }
0x7c: {  	_ =	shalt  }

</sc_bundles>
